<compile_context>
chip_gen: v7x
topology: tpu7x:2x2x1
jax: 0.10.2.dev20260603
libtpu: 0.0.44.dev20260713+nightly
codegen_flags: <defaults>
</compile_context>

<pallas_src>
import functools

import jax
import jax.numpy as jnp
from jax import lax
from jax.experimental import pallas as pl
from jax.experimental.pallas import tpu as pltpu

INPUT_DIM = 128
EXPERT_NUM = 1024
BATCH = 16384
AUG = INPUT_DIM + 1
TB = 2048
NW = 32
CHUNKS = 1
CB = BATCH // CHUNKS
BPW = CB // NW
NCHUNK = BPW // 128


def _tc_body(x_ref, w1_ref, b1_ref, w2_ref, b2_ref, w3_ref, b3_ref,
             cbt_ref, whatT_ref, idx128_ref, yt128_ref, wlT_ref):
    x = x_ref[...]
    h = jnp.maximum(jnp.dot(x, w1_ref[...],
                            preferred_element_type=jnp.float32)
                    + b1_ref[...], 0.0)
    h = jnp.maximum(jnp.dot(h, w2_ref[...],
                            preferred_element_type=jnp.float32)
                    + b2_ref[...], 0.0)
    w_hat = jnp.dot(h, w3_ref[...],
                    preferred_element_type=jnp.float32) + b3_ref[...]
    whatT_ref[...] = w_hat.T

    aug = jnp.concatenate(
        [x, jnp.ones((x.shape[0], 1), dtype=jnp.float32)], axis=1)
    scores = jnp.dot(aug, cbt_ref[...], preferred_element_type=jnp.float32)
    p = aug * w_hat
    p = jnp.concatenate([p, jnp.zeros((x.shape[0], 7), jnp.float32)], axis=1)
    pt = p.T
    g = pt[0:8, :]
    for j in range(1, 17):
        g = g + pt[8 * j:8 * j + 8, :]
    g = g[0:4, :] + g[4:8, :]
    g = g[0:2, :] + g[2:4, :]
    y_hat = (g[0:1, :] + g[1:2, :]).T
    d = (y_hat - scores) ** 2
    md = jnp.min(d, axis=1, keepdims=True)
    iota = lax.broadcasted_iota(jnp.int32, d.shape, 1)
    idx = jnp.min(jnp.where(d == md, iota, jnp.int32(2 ** 30)),
                  axis=1, keepdims=True)
    idx128_ref[...] = jnp.reshape(idx[:, 0], (1, TB // 128, 128))
    sel = iota == idx
    yt = jnp.sum(jnp.where(sel, scores, 0.0), axis=1, keepdims=True)
    yt128_ref[...] = jnp.reshape(yt[:, 0], (1, TB // 128, 128))
    wl = jnp.sum(
        jnp.where(sel, cbt_ref[INPUT_DIM:INPUT_DIM + 1, :], 0.0),
        axis=1, keepdims=True)
    wlT_ref[...] = wl.T


def _tc_call(x, W1, b1, W2, b2, W3, b3, cbt):
    grid = (CB // TB,)
    full = lambda shape: pl.BlockSpec(shape, lambda i: (0, 0))
    return pl.pallas_call(
        _tc_body,
        grid=grid,
        in_specs=[
            pl.BlockSpec((TB, INPUT_DIM), lambda i: (i, 0)),
            full((INPUT_DIM, 256)),
            full((1, 256)),
            full((256, 256)),
            full((1, 256)),
            full((256, AUG)),
            full((1, AUG)),
            full((AUG, EXPERT_NUM)),
        ],
        out_specs=[
            pl.BlockSpec((AUG, TB), lambda i: (0, i)),
            pl.BlockSpec((1, TB // 128, 128), lambda i: (i, 0, 0)),
            pl.BlockSpec((1, TB // 128, 128), lambda i: (i, 0, 0)),
            pl.BlockSpec((1, TB), lambda i: (0, i)),
        ],
        out_shape=[
            jax.ShapeDtypeStruct((AUG, CB), jnp.float32),
            jax.ShapeDtypeStruct((CB // TB, TB // 128, 128), jnp.int32),
            jax.ShapeDtypeStruct((CB // TB, TB // 128, 128), jnp.float32),
            jax.ShapeDtypeStruct((1, CB), jnp.float32),
        ],
    )(x, W1, b1, W2, b2, W3, b3, cbt)


TASM = 8192


def _asm_body(g_ref, wlT_ref, out_ref):
    out_ref[0:INPUT_DIM, :] = g_ref[...].T
    out_ref[INPUT_DIM:AUG, :] = wlT_ref[...]


def _asm_call(g, wlT):
    return pl.pallas_call(
        _asm_body,
        grid=(BATCH // TASM,),
        in_specs=[
            pl.BlockSpec((TASM, INPUT_DIM), lambda i: (i, 0)),
            pl.BlockSpec((1, TASM), lambda i: (0, i)),
        ],
        out_specs=pl.BlockSpec((AUG, TASM), lambda i: (0, i)),
        out_shape=jax.ShapeDtypeStruct((AUG, BATCH), jnp.float32),
    )(g, wlT)


def _make_sc_gather():
    from jax.experimental.pallas import tpu_sc as plsc

    info = plsc.get_sparse_core_info()
    nc = info.num_cores
    mesh = plsc.VectorSubcoreMesh(core_axis_name="c", subcore_axis_name="s")

    @functools.partial(
        pl.kernel, mesh=mesh,
        out_type=jax.ShapeDtypeStruct((CB, INPUT_DIM), jnp.float32),
        scratch_types=[
            pltpu.VMEM((NCHUNK, 128), jnp.int32),
            pltpu.VMEM((BPW, INPUT_DIM), jnp.float32),
            pltpu.SemaphoreType.DMA,
        ],
        compiler_params=pltpu.CompilerParams(use_tc_tiling_on_sc=True),
    )
    def gather_k(table_hbm, idx_hbm, out_hbm, idx_v, rows_v, sem):
        wid = lax.axis_index("s") * nc + lax.axis_index("c")
        pltpu.sync_copy(idx_hbm.at[wid], idx_v)
        copies = [
            pltpu.async_copy(table_hbm.at[idx_v.at[j]],
                             rows_v.at[pl.ds(j * 128, 128)], sem)
            for j in range(NCHUNK)
        ]
        for c in copies:
            c.wait()
        pltpu.sync_copy(rows_v, out_hbm.at[pl.ds(wid * BPW, BPW)])

    return gather_k


def kernel(input_tensor, W1, b1, W2, b2, W3, b3, codebook):
    cbt = codebook.T
    table = codebook[:, :INPUT_DIM]
    gather = _make_sc_gather()
    b1r, b2r, b3r = b1.reshape(1, 256), b2.reshape(1, 256), b3.reshape(1, AUG)

    whT, idx128, yt128, wlT = _tc_call(
        input_tensor, W1, b1r, W2, b2r, W3, b3r, cbt)
    g = gather(table, idx128.reshape(NW, NCHUNK, 128))
    wtT = _asm_call(g, wlT)
    return (whT.T, wtT.T, idx128.reshape(BATCH, 1),
            yt128.reshape(BATCH, 1))

# --- scband reference (transcript-rebuilt; emitter-appended) ---
"""Pipeline reference for scband-cgclr-72370198937695 (READ-ONLY COPY).

The authoritative reference and input builder live on the scoring server;
editing this copy changes nothing except your own understanding.
"""

import jax, jax.numpy as jnp
import numpy as np

INPUT_DIM = 128
EXPERT_NUM = 1024
BATCH = 16384
AUG = INPUT_DIM + 1


def _trunc(k, shape, std=0.1):
    return jax.random.truncated_normal(k, -2.0, 2.0, shape, jnp.float32) * std


def setup_inputs(seed: int = 0) -> dict:
    key = jax.random.key(seed)
    ks = jax.random.split(key, 9)
    x = jax.random.normal(ks[0], (BATCH, INPUT_DIM), dtype=jnp.float32)
    W1 = _trunc(ks[1], (INPUT_DIM, 256))
    b1 = _trunc(ks[2], (256,))
    W2 = _trunc(ks[3], (256, 256))
    b2 = _trunc(ks[4], (256,))
    W3 = _trunc(ks[5], (256, AUG))
    b3 = _trunc(ks[6], (AUG,))
    codebook = jax.random.uniform(ks[7], (EXPERT_NUM, AUG), jnp.float32,
                                  minval=-1.0 / EXPERT_NUM, maxval=1.0 / EXPERT_NUM)
    return {"input_tensor": x, "W1": W1, "b1": b1, "W2": W2, "b2": b2,
            "W3": W3, "b3": b3, "codebook": codebook}


def reference(input_tensor, W1, b1, W2, b2, W3, b3, codebook):
    B = input_tensor.shape[0]
    augmented = jnp.concatenate(
        [input_tensor, jnp.ones((B, 1), dtype=jnp.float32)], axis=1)
    # proxy MLP (dropout=0.0 -> identity)
    h = jax.nn.relu(input_tensor @ W1 + b1)
    h = jax.nn.relu(h @ W2 + b2)
    w_hat = h @ W3 + b3
    w_hat_flat = w_hat.reshape(-1, AUG)
    distances = ((augmented * w_hat_flat).sum(axis=1).reshape(-1, 1)
                 - augmented @ codebook.T) ** 2
    cluster_indices = jnp.argmin(distances, axis=1)[:, None]
    w_tilde = jnp.take(codebook, cluster_indices[:, 0], axis=0).reshape(w_hat.shape)
    y_tilde = (augmented * (w_hat + jax.lax.stop_gradient(-w_hat + w_tilde))
               ).sum(axis=1).reshape(-1, 1)
    return (w_hat, w_tilde, cluster_indices, y_tilde)

if __name__ == "__main__":
    import jax
    _d = setup_inputs()
    print(jax.jit(kernel)(*tuple(_d.values())))

</pallas_src>

<mosaic_0001>
#map = affine_map<(d0, d1) -> (0, 0)>
#map1 = affine_map<(d0, d1) -> (0, 0, 0)>
module attributes {stable_mosaic.version = 14 : i64} {
  func.func @gather_k(%arg0: i32, %arg1: i32, %arg2: memref<1024x128xf32, #tpu.memory_space<hbm>>, %arg3: memref<32x4x128xi32, #tpu.memory_space<hbm>>, %arg4: memref<16384x128xf32, #tpu.memory_space<hbm>>, %arg5: memref<4x128xi32, #tpu.memory_space<vmem>>, %arg6: memref<512x128xf32, #tpu.memory_space<vmem>>, %arg7: memref<!tpu.dma_semaphore, #tpu.memory_space<semaphore_mem>>) attributes {dimension_semantics = [#tpu.dimension_semantics<core_parallel>, #tpu.dimension_semantics<subcore_parallel>], iteration_bounds = array<i64: 2, 16>, scalar_prefetch = 0 : i64, scratch_operands = 3 : i64, tpu.core_type = #tpu.core_type<sc_vector_subcore>, window_params = [{transform_indices = #map}, {transform_indices = #map1}, {transform_indices = #map}]} {
    %mul3A = arith.constant 2 : i32
    %mul3A_0 = arith.muli %arg1, %mul3A : i32
    %add3A = arith.addi %mul3A_0, %arg0 : i32
    "tpu.region"() ({
      %run_scoped3A = tpu.sem_alloc : memref<!tpu.dma_semaphore, #tpu.memory_space<semaphore_mem>>
      %dma_start3A_81 = arith.constant 0 : i32
      %dma_start3A_82 = arith.constant 0 : i32
      %dma_start3A_83 = tpu.memref_slice %arg3[%add3A, %dma_start3A_81, %dma_start3A_82] : memref<32x4x128xi32, #tpu.memory_space<hbm>> -> memref<1x4x128xi32, #tpu.memory_space<hbm>>
      %dma_start3A_84 = tpu.memref_squeeze %dma_start3A_83 : memref<1x4x128xi32, #tpu.memory_space<hbm>> -> memref<4x128xi32, #tpu.memory_space<hbm>>
      %dma_start3A_85 = arith.constant 0 : i32
      %dma_start3A_86 = arith.constant 0 : i32
      %dma_start3A_87 = tpu.memref_slice %arg3[%add3A, %dma_start3A_85, %dma_start3A_86] : memref<32x4x128xi32, #tpu.memory_space<hbm>> -> memref<1x4x128xi32, #tpu.memory_space<hbm>>
      %dma_start3A_88 = tpu.memref_squeeze %dma_start3A_87 : memref<1x4x128xi32, #tpu.memory_space<hbm>> -> memref<4x128xi32, #tpu.memory_space<hbm>>
      tpu.enqueue_dma source(%dma_start3A_88 : memref<4x128xi32, #tpu.memory_space<hbm>>) target(%arg5 : memref<4x128xi32, #tpu.memory_space<vmem>>) target_semaphore(%run_scoped3A : memref<!tpu.dma_semaphore, #tpu.memory_space<semaphore_mem>>)
      %dma_wait3A_89 = arith.constant 0 : i32
      %dma_wait3A_90 = arith.constant 0 : i32
      %dma_wait3A_91 = tpu.memref_slice %arg3[%add3A, %dma_wait3A_89, %dma_wait3A_90] : memref<32x4x128xi32, #tpu.memory_space<hbm>> -> memref<1x4x128xi32, #tpu.memory_space<hbm>>
      %dma_wait3A_92 = tpu.memref_squeeze %dma_wait3A_91 : memref<1x4x128xi32, #tpu.memory_space<hbm>> -> memref<4x128xi32, #tpu.memory_space<hbm>>
      %dma_wait3A_93 = arith.constant 0 : i32
      %dma_wait3A_94 = arith.constant 0 : i32
      %dma_wait3A_95 = tpu.memref_slice %arg3[%add3A, %dma_wait3A_93, %dma_wait3A_94] : memref<32x4x128xi32, #tpu.memory_space<hbm>> -> memref<1x4x128xi32, #tpu.memory_space<hbm>>
      %dma_wait3A_96 = tpu.memref_squeeze %dma_wait3A_95 : memref<1x4x128xi32, #tpu.memory_space<hbm>> -> memref<4x128xi32, #tpu.memory_space<hbm>>
      tpu.wait_dma2 semaphore(%run_scoped3A : memref<!tpu.dma_semaphore, #tpu.memory_space<semaphore_mem>>) src(%dma_wait3A_96 : memref<4x128xi32, #tpu.memory_space<hbm>>) dst(%arg5 : memref<4x128xi32, #tpu.memory_space<vmem>>)
      tpu.yield
    }) : () -> ()
    %dma_start3A = arith.constant 0 : i32
    %dma_start3A_1 = arith.constant 0 : i32
    %dma_start3A_2 = arith.constant 0 : i32
    %dma_start3A_3 = tpu.memref_slice %arg6[%dma_start3A_1, %dma_start3A_2] : memref<512x128xf32, #tpu.memory_space<vmem>> -> memref<128x128xf32, #tpu.memory_space<vmem>>
    %dma_start3A_4 = arith.constant 0 : i32
    %dma_start3A_5 = tpu.memref_slice %arg5[%dma_start3A, %dma_start3A_4] : memref<4x128xi32, #tpu.memory_space<vmem>> -> memref<1x128xi32, #tpu.memory_space<vmem>>
    %dma_start3A_6 = tpu.memref_squeeze %dma_start3A_5 : memref<1x128xi32, #tpu.memory_space<vmem>> -> memref<128xi32, #tpu.memory_space<vmem>>
    %dma_start3A_7 = arith.constant 0 : i32
    %dma_start3A_8 = arith.constant 0 : i32
    %dma_start3A_9 = tpu.memref_slice %arg2[%dma_start3A_7, %dma_start3A_8] : memref<1024x128xf32, #tpu.memory_space<hbm>> -> memref<1024x128xf32, #tpu.memory_space<hbm>>
    tpu.enqueue_indirect_dma source(%dma_start3A_9 : memref<1024x128xf32, #tpu.memory_space<hbm>>) target(%dma_start3A_3 : memref<128x128xf32, #tpu.memory_space<vmem>>) offsets(%dma_start3A_6 : memref<128xi32, #tpu.memory_space<vmem>>) semaphore(%arg7 : memref<!tpu.dma_semaphore, #tpu.memory_space<semaphore_mem>>)
    %dma_start3A_10 = arith.constant 1 : i32
    %dma_start3A_11 = arith.constant 128 : i32
    %dma_start3A_12 = arith.constant 0 : i32
    %dma_start3A_13 = tpu.memref_slice %arg6[%dma_start3A_11, %dma_start3A_12] : memref<512x128xf32, #tpu.memory_space<vmem>> -> memref<128x128xf32, #tpu.memory_space<vmem>>
    %dma_start3A_14 = arith.constant 0 : i32
    %dma_start3A_15 = tpu.memref_slice %arg5[%dma_start3A_10, %dma_start3A_14] : memref<4x128xi32, #tpu.memory_space<vmem>> -> memref<1x128xi32, #tpu.memory_space<vmem>>
    %dma_start3A_16 = tpu.memref_squeeze %dma_start3A_15 : memref<1x128xi32, #tpu.memory_space<vmem>> -> memref<128xi32, #tpu.memory_space<vmem>>
    %dma_start3A_17 = arith.constant 0 : i32
    %dma_start3A_18 = arith.constant 0 : i32
    %dma_start3A_19 = tpu.memref_slice %arg2[%dma_start3A_17, %dma_start3A_18] : memref<1024x128xf32, #tpu.memory_space<hbm>> -> memref<1024x128xf32, #tpu.memory_space<hbm>>
    tpu.enqueue_indirect_dma source(%dma_start3A_19 : memref<1024x128xf32, #tpu.memory_space<hbm>>) target(%dma_start3A_13 : memref<128x128xf32, #tpu.memory_space<vmem>>) offsets(%dma_start3A_16 : memref<128xi32, #tpu.memory_space<vmem>>) semaphore(%arg7 : memref<!tpu.dma_semaphore, #tpu.memory_space<semaphore_mem>>)
    %dma_start3A_20 = arith.constant 2 : i32
    %dma_start3A_21 = arith.constant 256 : i32
    %dma_start3A_22 = arith.constant 0 : i32
    %dma_start3A_23 = tpu.memref_slice %arg6[%dma_start3A_21, %dma_start3A_22] : memref<512x128xf32, #tpu.memory_space<vmem>> -> memref<128x128xf32, #tpu.memory_space<vmem>>
    %dma_start3A_24 = arith.constant 0 : i32
    %dma_start3A_25 = tpu.memref_slice %arg5[%dma_start3A_20, %dma_start3A_24] : memref<4x128xi32, #tpu.memory_space<vmem>> -> memref<1x128xi32, #tpu.memory_space<vmem>>
    %dma_start3A_26 = tpu.memref_squeeze %dma_start3A_25 : memref<1x128xi32, #tpu.memory_space<vmem>> -> memref<128xi32, #tpu.memory_space<vmem>>
    %dma_start3A_27 = arith.constant 0 : i32
    %dma_start3A_28 = arith.constant 0 : i32
    %dma_start3A_29 = tpu.memref_slice %arg2[%dma_start3A_27, %dma_start3A_28] : memref<1024x128xf32, #tpu.memory_space<hbm>> -> memref<1024x128xf32, #tpu.memory_space<hbm>>
    tpu.enqueue_indirect_dma source(%dma_start3A_29 : memref<1024x128xf32, #tpu.memory_space<hbm>>) target(%dma_start3A_23 : memref<128x128xf32, #tpu.memory_space<vmem>>) offsets(%dma_start3A_26 : memref<128xi32, #tpu.memory_space<vmem>>) semaphore(%arg7 : memref<!tpu.dma_semaphore, #tpu.memory_space<semaphore_mem>>)
    %dma_start3A_30 = arith.constant 3 : i32
    %dma_start3A_31 = arith.constant 384 : i32
    %dma_start3A_32 = arith.constant 0 : i32
    %dma_start3A_33 = tpu.memref_slice %arg6[%dma_start3A_31, %dma_start3A_32] : memref<512x128xf32, #tpu.memory_space<vmem>> -> memref<128x128xf32, #tpu.memory_space<vmem>>
    %dma_start3A_34 = arith.constant 0 : i32
    %dma_start3A_35 = tpu.memref_slice %arg5[%dma_start3A_30, %dma_start3A_34] : memref<4x128xi32, #tpu.memory_space<vmem>> -> memref<1x128xi32, #tpu.memory_space<vmem>>
    %dma_start3A_36 = tpu.memref_squeeze %dma_start3A_35 : memref<1x128xi32, #tpu.memory_space<vmem>> -> memref<128xi32, #tpu.memory_space<vmem>>
    %dma_start3A_37 = arith.constant 0 : i32
    %dma_start3A_38 = arith.constant 0 : i32
    %dma_start3A_39 = tpu.memref_slice %arg2[%dma_start3A_37, %dma_start3A_38] : memref<1024x128xf32, #tpu.memory_space<hbm>> -> memref<1024x128xf32, #tpu.memory_space<hbm>>
    tpu.enqueue_indirect_dma source(%dma_start3A_39 : memref<1024x128xf32, #tpu.memory_space<hbm>>) target(%dma_start3A_33 : memref<128x128xf32, #tpu.memory_space<vmem>>) offsets(%dma_start3A_36 : memref<128xi32, #tpu.memory_space<vmem>>) semaphore(%arg7 : memref<!tpu.dma_semaphore, #tpu.memory_space<semaphore_mem>>)
    %dma_wait3A = arith.constant 0 : i32
    %dma_wait3A_40 = arith.constant 0 : i32
    %dma_wait3A_41 = arith.constant 0 : i32
    %dma_wait3A_42 = tpu.memref_slice %arg6[%dma_wait3A_40, %dma_wait3A_41] : memref<512x128xf32, #tpu.memory_space<vmem>> -> memref<128x128xf32, #tpu.memory_space<vmem>>
    %dma_wait3A_43 = arith.constant 0 : i32
    %dma_wait3A_44 = tpu.memref_slice %arg5[%dma_wait3A, %dma_wait3A_43] : memref<4x128xi32, #tpu.memory_space<vmem>> -> memref<1x128xi32, #tpu.memory_space<vmem>>
    %dma_wait3A_45 = tpu.memref_squeeze %dma_wait3A_44 : memref<1x128xi32, #tpu.memory_space<vmem>> -> memref<128xi32, #tpu.memory_space<vmem>>
    %dma_wait3A_46 = arith.constant 0 : i32
    %dma_wait3A_47 = arith.constant 0 : i32
    %dma_wait3A_48 = tpu.memref_slice %arg2[%dma_wait3A_46, %dma_wait3A_47] : memref<1024x128xf32, #tpu.memory_space<hbm>> -> memref<1024x128xf32, #tpu.memory_space<hbm>>
    tpu.wait_indirect_dma semaphore(%arg7 : memref<!tpu.dma_semaphore, #tpu.memory_space<semaphore_mem>>) src(%dma_wait3A_48 : memref<1024x128xf32, #tpu.memory_space<hbm>>) dst(%dma_wait3A_42 : memref<128x128xf32, #tpu.memory_space<vmem>>)
    %dma_wait3A_49 = arith.constant 1 : i32
    %dma_wait3A_50 = arith.constant 128 : i32
    %dma_wait3A_51 = arith.constant 0 : i32
    %dma_wait3A_52 = tpu.memref_slice %arg6[%dma_wait3A_50, %dma_wait3A_51] : memref<512x128xf32, #tpu.memory_space<vmem>> -> memref<128x128xf32, #tpu.memory_space<vmem>>
    %dma_wait3A_53 = arith.constant 0 : i32
    %dma_wait3A_54 = tpu.memref_slice %arg5[%dma_wait3A_49, %dma_wait3A_53] : memref<4x128xi32, #tpu.memory_space<vmem>> -> memref<1x128xi32, #tpu.memory_space<vmem>>
    %dma_wait3A_55 = tpu.memref_squeeze %dma_wait3A_54 : memref<1x128xi32, #tpu.memory_space<vmem>> -> memref<128xi32, #tpu.memory_space<vmem>>
    %dma_wait3A_56 = arith.constant 0 : i32
    %dma_wait3A_57 = arith.constant 0 : i32
    %dma_wait3A_58 = tpu.memref_slice %arg2[%dma_wait3A_56, %dma_wait3A_57] : memref<1024x128xf32, #tpu.memory_space<hbm>> -> memref<1024x128xf32, #tpu.memory_space<hbm>>
    tpu.wait_indirect_dma semaphore(%arg7 : memref<!tpu.dma_semaphore, #tpu.memory_space<semaphore_mem>>) src(%dma_wait3A_58 : memref<1024x128xf32, #tpu.memory_space<hbm>>) dst(%dma_wait3A_52 : memref<128x128xf32, #tpu.memory_space<vmem>>)
    %dma_wait3A_59 = arith.constant 2 : i32
    %dma_wait3A_60 = arith.constant 256 : i32
    %dma_wait3A_61 = arith.constant 0 : i32
    %dma_wait3A_62 = tpu.memref_slice %arg6[%dma_wait3A_60, %dma_wait3A_61] : memref<512x128xf32, #tpu.memory_space<vmem>> -> memref<128x128xf32, #tpu.memory_space<vmem>>
    %dma_wait3A_63 = arith.constant 0 : i32
    %dma_wait3A_64 = tpu.memref_slice %arg5[%dma_wait3A_59, %dma_wait3A_63] : memref<4x128xi32, #tpu.memory_space<vmem>> -> memref<1x128xi32, #tpu.memory_space<vmem>>
    %dma_wait3A_65 = tpu.memref_squeeze %dma_wait3A_64 : memref<1x128xi32, #tpu.memory_space<vmem>> -> memref<128xi32, #tpu.memory_space<vmem>>
    %dma_wait3A_66 = arith.constant 0 : i32
    %dma_wait3A_67 = arith.constant 0 : i32
    %dma_wait3A_68 = tpu.memref_slice %arg2[%dma_wait3A_66, %dma_wait3A_67] : memref<1024x128xf32, #tpu.memory_space<hbm>> -> memref<1024x128xf32, #tpu.memory_space<hbm>>
    tpu.wait_indirect_dma semaphore(%arg7 : memref<!tpu.dma_semaphore, #tpu.memory_space<semaphore_mem>>) src(%dma_wait3A_68 : memref<1024x128xf32, #tpu.memory_space<hbm>>) dst(%dma_wait3A_62 : memref<128x128xf32, #tpu.memory_space<vmem>>)
    %dma_wait3A_69 = arith.constant 3 : i32
    %dma_wait3A_70 = arith.constant 384 : i32
    %dma_wait3A_71 = arith.constant 0 : i32
    %dma_wait3A_72 = tpu.memref_slice %arg6[%dma_wait3A_70, %dma_wait3A_71] : memref<512x128xf32, #tpu.memory_space<vmem>> -> memref<128x128xf32, #tpu.memory_space<vmem>>
    %dma_wait3A_73 = arith.constant 0 : i32
    %dma_wait3A_74 = tpu.memref_slice %arg5[%dma_wait3A_69, %dma_wait3A_73] : memref<4x128xi32, #tpu.memory_space<vmem>> -> memref<1x128xi32, #tpu.memory_space<vmem>>
    %dma_wait3A_75 = tpu.memref_squeeze %dma_wait3A_74 : memref<1x128xi32, #tpu.memory_space<vmem>> -> memref<128xi32, #tpu.memory_space<vmem>>
    %dma_wait3A_76 = arith.constant 0 : i32
    %dma_wait3A_77 = arith.constant 0 : i32
    %dma_wait3A_78 = tpu.memref_slice %arg2[%dma_wait3A_76, %dma_wait3A_77] : memref<1024x128xf32, #tpu.memory_space<hbm>> -> memref<1024x128xf32, #tpu.memory_space<hbm>>
    tpu.wait_indirect_dma semaphore(%arg7 : memref<!tpu.dma_semaphore, #tpu.memory_space<semaphore_mem>>) src(%dma_wait3A_78 : memref<1024x128xf32, #tpu.memory_space<hbm>>) dst(%dma_wait3A_72 : memref<128x128xf32, #tpu.memory_space<vmem>>)
    %mul3A_79 = arith.constant 512 : i32
    %mul3A_80 = arith.muli %add3A, %mul3A_79 : i32
    "tpu.region"() ({
      %run_scoped3A = tpu.sem_alloc : memref<!tpu.dma_semaphore, #tpu.memory_space<semaphore_mem>>
      %dma_start3A_81 = arith.constant 0 : i32
      %dma_start3A_82 = tpu.memref_slice %arg4[%mul3A_80, %dma_start3A_81] : memref<16384x128xf32, #tpu.memory_space<hbm>> -> memref<512x128xf32, #tpu.memory_space<hbm>>
      %dma_start3A_83 = arith.constant 0 : i32
      %dma_start3A_84 = tpu.memref_slice %arg4[%mul3A_80, %dma_start3A_83] : memref<16384x128xf32, #tpu.memory_space<hbm>> -> memref<512x128xf32, #tpu.memory_space<hbm>>
      tpu.enqueue_dma source(%arg6 : memref<512x128xf32, #tpu.memory_space<vmem>>) target(%dma_start3A_84 : memref<512x128xf32, #tpu.memory_space<hbm>>) target_semaphore(%run_scoped3A : memref<!tpu.dma_semaphore, #tpu.memory_space<semaphore_mem>>)
      %dma_wait3A_85 = arith.constant 0 : i32
      %dma_wait3A_86 = tpu.memref_slice %arg4[%mul3A_80, %dma_wait3A_85] : memref<16384x128xf32, #tpu.memory_space<hbm>> -> memref<512x128xf32, #tpu.memory_space<hbm>>
      %dma_wait3A_87 = arith.constant 0 : i32
      %dma_wait3A_88 = tpu.memref_slice %arg4[%mul3A_80, %dma_wait3A_87] : memref<16384x128xf32, #tpu.memory_space<hbm>> -> memref<512x128xf32, #tpu.memory_space<hbm>>
      tpu.wait_dma2 semaphore(%run_scoped3A : memref<!tpu.dma_semaphore, #tpu.memory_space<semaphore_mem>>) src(%arg6 : memref<512x128xf32, #tpu.memory_space<vmem>>) dst(%dma_wait3A_88 : memref<512x128xf32, #tpu.memory_space<hbm>>)
      tpu.yield
    }) : () -> ()
    return
  }
}

module attributes {stable_mosaic.version = 14 : i64} {
  func.func @_tc_body(%arg0: i32, %arg1: memref<2048x128xf32, #tpu.memory_space<vmem>>, %arg2: memref<128x256xf32, #tpu.memory_space<vmem>>, %arg3: memref<1x256xf32, #tpu.memory_space<vmem>>, %arg4: memref<256x256xf32, #tpu.memory_space<vmem>>, %arg5: memref<1x256xf32, #tpu.memory_space<vmem>>, %arg6: memref<256x129xf32, #tpu.memory_space<vmem>>, %arg7: memref<1x129xf32, #tpu.memory_space<vmem>>, %arg8: memref<129x1024xf32, #tpu.memory_space<vmem>>, %arg9: memref<129x2048xf32, #tpu.memory_space<vmem>>, %arg10: memref<1x16x128xi32, #tpu.memory_space<vmem>>, %arg11: memref<1x16x128xf32, #tpu.memory_space<vmem>>, %arg12: memref<1x2048xf32, #tpu.memory_space<vmem>>) attributes {dimension_semantics = [#tpu.dimension_semantics<arbitrary>], iteration_bounds = array<i64: 8>, scalar_prefetch = 0 : i64, scratch_operands = 0 : i64, tpu.core_type = #tpu.core_type<tc>, window_params = [{transform_indices = @transform_0, window_bounds = array<i64: 2048, 128>}, {pipeline_mode = #tpu.pipeline_mode<synchronous>, transform_indices = @transform_1, window_bounds = array<i64: 128, 256>}, {pipeline_mode = #tpu.pipeline_mode<synchronous>, transform_indices = @transform_2, window_bounds = array<i64: 1, 256>}, {pipeline_mode = #tpu.pipeline_mode<synchronous>, transform_indices = @transform_3, window_bounds = array<i64: 256, 256>}, {pipeline_mode = #tpu.pipeline_mode<synchronous>, transform_indices = @transform_4, window_bounds = array<i64: 1, 256>}, {pipeline_mode = #tpu.pipeline_mode<synchronous>, transform_indices = @transform_5, window_bounds = array<i64: 256, 129>}, {pipeline_mode = #tpu.pipeline_mode<synchronous>, transform_indices = @transform_6, window_bounds = array<i64: 1, 129>}, {pipeline_mode = #tpu.pipeline_mode<synchronous>, transform_indices = @transform_7, window_bounds = array<i64: 129, 1024>}, {transform_indices = @transform_8, window_bounds = array<i64: 129, 2048>}, {transform_indices = @transform_9, window_bounds = array<i64: 1, 16, 128>}, {transform_indices = @transform_10, window_bounds = array<i64: 1, 16, 128>}, {transform_indices = @transform_11, window_bounds = array<i64: 1, 2048>}]} {
    %get3A = arith.constant 0 : index
    %get3A_0 = arith.constant 0 : index
    %get3A_1 = vector.load %arg1[%get3A, %get3A_0] : memref<2048x128xf32, #tpu.memory_space<vmem>>, vector<2048x128xf32>
    %get3A_2 = arith.constant 0 : index
    %get3A_3 = arith.constant 0 : index
    %get3A_4 = vector.load %arg2[%get3A_2, %get3A_3] : memref<128x256xf32, #tpu.memory_space<vmem>>, vector<128x256xf32>
    %dot_general3A = arith.constant dense<0.000000e+00> : vector<2048x256xf32>
    %dot_general3A_5 = tpu.matmul %get3A_1, %get3A_4, %dot_general3A {dimension_numbers = #tpu.dot_dimension_numbers<[1], [0], [0], [1], [0, 0, 1, 1], [], []>, transpose_lhs_hint = false} : vector<2048x128xf32>, vector<128x256xf32>, vector<2048x256xf32> -> vector<2048x256xf32>
    %get3A_6 = arith.constant 0 : index
    %get3A_7 = arith.constant 0 : index
    %get3A_8 = vector.load %arg3[%get3A_6, %get3A_7] : memref<1x256xf32, #tpu.memory_space<vmem>>, vector<1x256xf32>
    %add3A = vector.broadcast %get3A_8 : vector<1x256xf32> to vector<2048x256xf32>
    %add3A_9 = arith.addf %dot_general3A_5, %add3A : vector<2048x256xf32>
    %max3A = arith.constant 0.000000e+00 : f32
    %max3A_10 = vector.broadcast %max3A : f32 to vector<2048x256xf32>
    %max3A_11 = arith.maximumf %add3A_9, %max3A_10 : vector<2048x256xf32>
    %get3A_12 = arith.constant 0 : index
    %get3A_13 = arith.constant 0 : index
    %get3A_14 = vector.load %arg4[%get3A_12, %get3A_13] : memref<256x256xf32, #tpu.memory_space<vmem>>, vector<256x256xf32>
    %dot_general3A_15 = arith.constant dense<0.000000e+00> : vector<2048x256xf32>
    %dot_general3A_16 = tpu.matmul %max3A_11, %get3A_14, %dot_general3A_15 {dimension_numbers = #tpu.dot_dimension_numbers<[1], [0], [0], [1], [0, 0, 1, 1], [], []>, transpose_lhs_hint = false} : vector<2048x256xf32>, vector<256x256xf32>, vector<2048x256xf32> -> vector<2048x256xf32>
    %get3A_17 = arith.constant 0 : index
    %get3A_18 = arith.constant 0 : index
    %get3A_19 = vector.load %arg5[%get3A_17, %get3A_18] : memref<1x256xf32, #tpu.memory_space<vmem>>, vector<1x256xf32>
    %add3A_20 = vector.broadcast %get3A_19 : vector<1x256xf32> to vector<2048x256xf32>
    %add3A_21 = arith.addf %dot_general3A_16, %add3A_20 : vector<2048x256xf32>
    %max3A_22 = arith.constant 0.000000e+00 : f32
    %max3A_23 = vector.broadcast %max3A_22 : f32 to vector<2048x256xf32>
    %max3A_24 = arith.maximumf %add3A_21, %max3A_23 : vector<2048x256xf32>
    %get3A_25 = arith.constant 0 : index
    %get3A_26 = arith.constant 0 : index
    %get3A_27 = vector.load %arg6[%get3A_25, %get3A_26] : memref<256x129xf32, #tpu.memory_space<vmem>>, vector<256x129xf32>
    %dot_general3A_28 = arith.constant dense<0.000000e+00> : vector<2048x129xf32>
    %dot_general3A_29 = tpu.matmul %max3A_24, %get3A_27, %dot_general3A_28 {dimension_numbers = #tpu.dot_dimension_numbers<[1], [0], [0], [1], [0, 0, 1, 1], [], []>, transpose_lhs_hint = false} : vector<2048x256xf32>, vector<256x129xf32>, vector<2048x129xf32> -> vector<2048x129xf32>
    %get3A_30 = arith.constant 0 : index
    %get3A_31 = arith.constant 0 : index
    %get3A_32 = vector.load %arg7[%get3A_30, %get3A_31] : memref<1x129xf32, #tpu.memory_space<vmem>>, vector<1x129xf32>
    %add3A_33 = vector.broadcast %get3A_32 : vector<1x129xf32> to vector<2048x129xf32>
    %add3A_34 = arith.addf %dot_general3A_29, %add3A_33 : vector<2048x129xf32>
    %transpose3A = tpu.transpose %add3A_34, [1, 0] : vector<2048x129xf32> -> vector<129x2048xf32>
    %swap3A = arith.constant 0 : index
    %swap3A_35 = arith.constant 0 : index
    %swap3A_36 = vector.load %arg9[%swap3A, %swap3A_35] : memref<129x2048xf32, #tpu.memory_space<vmem>>, vector<129x2048xf32>
    tpu.vector_store %arg9[%swap3A, %swap3A_35], %transpose3A {strides = array<i32>} : memref<129x2048xf32, #tpu.memory_space<vmem>>, vector<129x2048xf32>,
    %broadcast_in_dim3A = arith.constant 1.000000e+00 : f32
    %broadcast_in_dim3A_37 = vector.broadcast %broadcast_in_dim3A : f32 to vector<2048x1xf32>
    %concatenate3A = tpu.concatenate %get3A_1, %broadcast_in_dim3A_37 in 1 : vector<2048x128xf32>, vector<2048x1xf32> -> vector<2048x129xf32>
    %get3A_38 = arith.constant 0 : index
    %get3A_39 = arith.constant 0 : index
    %get3A_40 = vector.load %arg8[%get3A_38, %get3A_39] : memref<129x1024xf32, #tpu.memory_space<vmem>>, vector<129x1024xf32>
    %dot_general3A_41 = arith.constant dense<0.000000e+00> : vector<2048x1024xf32>
    %dot_general3A_42 = tpu.matmul %concatenate3A, %get3A_40, %dot_general3A_41 {dimension_numbers = #tpu.dot_dimension_numbers<[1], [0], [0], [1], [0, 0, 1, 1], [], []>, transpose_lhs_hint = false} : vector<2048x129xf32>, vector<129x1024xf32>, vector<2048x1024xf32> -> vector<2048x1024xf32>
    %mul3A = arith.mulf %concatenate3A, %add3A_34 : vector<2048x129xf32>
    %broadcast_in_dim3A_43 = arith.constant 0.000000e+00 : f32
    %broadcast_in_dim3A_44 = vector.broadcast %broadcast_in_dim3A_43 : f32 to vector<2048x7xf32>
    %concatenate3A_45 = tpu.concatenate %mul3A, %broadcast_in_dim3A_44 in 1 : vector<2048x129xf32>, vector<2048x7xf32> -> vector<2048x136xf32>
    %transpose3A_46 = tpu.transpose %concatenate3A_45, [1, 0] : vector<2048x136xf32> -> vector<136x2048xf32>
    %slice3A = vector.extract_strided_slice %transpose3A_46 {offsets = [0, 0], sizes = [8, 2048], strides = [1, 1]} : vector<136x2048xf32> to vector<8x2048xf32>
    %slice3A_47 = vector.extract_strided_slice %transpose3A_46 {offsets = [8, 0], sizes = [8, 2048], strides = [1, 1]} : vector<136x2048xf32> to vector<8x2048xf32>
    %add3A_48 = arith.addf %slice3A, %slice3A_47 : vector<8x2048xf32>
    %slice3A_49 = vector.extract_strided_slice %transpose3A_46 {offsets = [16, 0], sizes = [8, 2048], strides = [1, 1]} : vector<136x2048xf32> to vector<8x2048xf32>
    %add3A_50 = arith.addf %add3A_48, %slice3A_49 : vector<8x2048xf32>
    %slice3A_51 = vector.extract_strided_slice %transpose3A_46 {offsets = [24, 0], sizes = [8, 2048], strides = [1, 1]} : vector<136x2048xf32> to vector<8x2048xf32>
    %add3A_52 = arith.addf %add3A_50, %slice3A_51 : vector<8x2048xf32>
    %slice3A_53 = vector.extract_strided_slice %transpose3A_46 {offsets = [32, 0], sizes = [8, 2048], strides = [1, 1]} : vector<136x2048xf32> to vector<8x2048xf32>
    %add3A_54 = arith.addf %add3A_52, %slice3A_53 : vector<8x2048xf32>
    %slice3A_55 = vector.extract_strided_slice %transpose3A_46 {offsets = [40, 0], sizes = [8, 2048], strides = [1, 1]} : vector<136x2048xf32> to vector<8x2048xf32>
    %add3A_56 = arith.addf %add3A_54, %slice3A_55 : vector<8x2048xf32>
    %slice3A_57 = vector.extract_strided_slice %transpose3A_46 {offsets = [48, 0], sizes = [8, 2048], strides = [1, 1]} : vector<136x2048xf32> to vector<8x2048xf32>
    %add3A_58 = arith.addf %add3A_56, %slice3A_57 : vector<8x2048xf32>
    %slice3A_59 = vector.extract_strided_slice %transpose3A_46 {offsets = [56, 0], sizes = [8, 2048], strides = [1, 1]} : vector<136x2048xf32> to vector<8x2048xf32>
    %add3A_60 = arith.addf %add3A_58, %slice3A_59 : vector<8x2048xf32>
    %slice3A_61 = vector.extract_strided_slice %transpose3A_46 {offsets = [64, 0], sizes = [8, 2048], strides = [1, 1]} : vector<136x2048xf32> to vector<8x2048xf32>
    %add3A_62 = arith.addf %add3A_60, %slice3A_61 : vector<8x2048xf32>
    %slice3A_63 = vector.extract_strided_slice %transpose3A_46 {offsets = [72, 0], sizes = [8, 2048], strides = [1, 1]} : vector<136x2048xf32> to vector<8x2048xf32>
    %add3A_64 = arith.addf %add3A_62, %slice3A_63 : vector<8x2048xf32>
    %slice3A_65 = vector.extract_strided_slice %transpose3A_46 {offsets = [80, 0], sizes = [8, 2048], strides = [1, 1]} : vector<136x2048xf32> to vector<8x2048xf32>
    %add3A_66 = arith.addf %add3A_64, %slice3A_65 : vector<8x2048xf32>
    %slice3A_67 = vector.extract_strided_slice %transpose3A_46 {offsets = [88, 0], sizes = [8, 2048], strides = [1, 1]} : vector<136x2048xf32> to vector<8x2048xf32>
    %add3A_68 = arith.addf %add3A_66, %slice3A_67 : vector<8x2048xf32>
    %slice3A_69 = vector.extract_strided_slice %transpose3A_46 {offsets = [96, 0], sizes = [8, 2048], strides = [1, 1]} : vector<136x2048xf32> to vector<8x2048xf32>
    %add3A_70 = arith.addf %add3A_68, %slice3A_69 : vector<8x2048xf32>
    %slice3A_71 = vector.extract_strided_slice %transpose3A_46 {offsets = [104, 0], sizes = [8, 2048], strides = [1, 1]} : vector<136x2048xf32> to vector<8x2048xf32>
    %add3A_72 = arith.addf %add3A_70, %slice3A_71 : vector<8x2048xf32>
    %slice3A_73 = vector.extract_strided_slice %transpose3A_46 {offsets = [112, 0], sizes = [8, 2048], strides = [1, 1]} : vector<136x2048xf32> to vector<8x2048xf32>
    %add3A_74 = arith.addf %add3A_72, %slice3A_73 : vector<8x2048xf32>
    %slice3A_75 = vector.extract_strided_slice %transpose3A_46 {offsets = [120, 0], sizes = [8, 2048], strides = [1, 1]} : vector<136x2048xf32> to vector<8x2048xf32>
    %add3A_76 = arith.addf %add3A_74, %slice3A_75 : vector<8x2048xf32>
    %slice3A_77 = vector.extract_strided_slice %transpose3A_46 {offsets = [128, 0], sizes = [8, 2048], strides = [1, 1]} : vector<136x2048xf32> to vector<8x2048xf32>
    %add3A_78 = arith.addf %add3A_76, %slice3A_77 : vector<8x2048xf32>
    %slice3A_79 = vector.extract_strided_slice %add3A_78 {offsets = [0, 0], sizes = [4, 2048], strides = [1, 1]} : vector<8x2048xf32> to vector<4x2048xf32>
    %slice3A_80 = vector.extract_strided_slice %add3A_78 {offsets = [4, 0], sizes = [4, 2048], strides = [1, 1]} : vector<8x2048xf32> to vector<4x2048xf32>
    %add3A_81 = arith.addf %slice3A_79, %slice3A_80 : vector<4x2048xf32>
    %slice3A_82 = vector.extract_strided_slice %add3A_81 {offsets = [0, 0], sizes = [2, 2048], strides = [1, 1]} : vector<4x2048xf32> to vector<2x2048xf32>
    %slice3A_83 = vector.extract_strided_slice %add3A_81 {offsets = [2, 0], sizes = [2, 2048], strides = [1, 1]} : vector<4x2048xf32> to vector<2x2048xf32>
    %add3A_84 = arith.addf %slice3A_82, %slice3A_83 : vector<2x2048xf32>
    %slice3A_85 = vector.extract_strided_slice %add3A_84 {offsets = [0, 0], sizes = [1, 2048], strides = [1, 1]} : vector<2x2048xf32> to vector<1x2048xf32>
    %slice3A_86 = vector.extract_strided_slice %add3A_84 {offsets = [1, 0], sizes = [1, 2048], strides = [1, 1]} : vector<2x2048xf32> to vector<1x2048xf32>
    %add3A_87 = arith.addf %slice3A_85, %slice3A_86 : vector<1x2048xf32>
    %transpose3A_88 = tpu.transpose %add3A_87, [1, 0] : vector<1x2048xf32> -> vector<2048x1xf32>
    %sub3A = vector.broadcast %transpose3A_88 : vector<2048x1xf32> to vector<2048x1024xf32>
    %sub3A_89 = arith.subf %sub3A, %dot_general3A_42 : vector<2048x1024xf32>
    %integer_pow3A = arith.mulf %sub3A_89, %sub3A_89 : vector<2048x1024xf32>
    %reduce_min3A = arith.constant dense<0x7F800000> : vector<2048xf32>
    %reduce_min3A_90 = vector.multi_reduction <minimumf>, %integer_pow3A, %reduce_min3A [1] : vector<2048x1024xf32> to vector<2048xf32>
    %broadcast_in_dim3A_91 = vector.shape_cast %reduce_min3A_90 : vector<2048xf32> to vector<2048x1xf32>
    %iota3A = tpu.iota {dimensions = array<i32: 1>} : vector<2048x1024xi32>
    %eq3A = vector.broadcast %broadcast_in_dim3A_91 : vector<2048x1xf32> to vector<2048x1024xf32>
    %eq3A_92 = arith.cmpf oeq, %integer_pow3A, %eq3A : vector<2048x1024xf32>
    %jit3A = arith.constant 1073741824 : i32
    %broadcast_in_dim3A_93 = vector.broadcast %jit3A : i32 to vector<2048x1024xi32>
    %select_n3A = arith.select %eq3A_92, %iota3A, %broadcast_in_dim3A_93 : vector<2048x1024xi1>, vector<2048x1024xi32>
    %reduce_min3A_94 = arith.constant dense<2147483647> : vector<2048xi32>
    %reduce_min3A_95 = vector.multi_reduction <minsi>, %select_n3A, %reduce_min3A_94 [1] : vector<2048x1024xi32> to vector<2048xi32>
    %broadcast_in_dim3A_96 = vector.shape_cast %reduce_min3A_95 : vector<2048xi32> to vector<2048x1xi32>
    %squeeze3A = vector.shape_cast %broadcast_in_dim3A_96 : vector<2048x1xi32> to vector<2048xi32>
    %reshape3A = vector.shape_cast %squeeze3A : vector<2048xi32> to vector<1x16x128xi32>
    %swap3A_97 = arith.constant 0 : index
    %swap3A_98 = arith.constant 0 : index
    %swap3A_99 = arith.constant 0 : index
    %swap3A_100 = vector.load %arg10[%swap3A_97, %swap3A_98, %swap3A_99] : memref<1x16x128xi32, #tpu.memory_space<vmem>>, vector<1x16x128xi32>
    tpu.vector_store %arg10[%swap3A_97, %swap3A_98, %swap3A_99], %reshape3A {strides = array<i32>} : memref<1x16x128xi32, #tpu.memory_space<vmem>>, vector<1x16x128xi32>,
    %eq3A_101 = vector.broadcast %broadcast_in_dim3A_96 : vector<2048x1xi32> to vector<2048x1024xi32>
    %eq3A_102 = arith.cmpi eq, %iota3A, %eq3A_101 : vector<2048x1024xi32>
    %jit3A_103 = arith.constant 0.000000e+00 : f32
    %broadcast_in_dim3A_104 = vector.broadcast %jit3A_103 : f32 to vector<2048x1024xf32>
    %select_n3A_105 = arith.select %eq3A_102, %dot_general3A_42, %broadcast_in_dim3A_104 : vector<2048x1024xi1>, vector<2048x1024xf32>
    %reduce_sum3A = arith.constant dense<0.000000e+00> : vector<2048xf32>
    %reduce_sum3A_106 = vector.multi_reduction <add>, %select_n3A_105, %reduce_sum3A [1] : vector<2048x1024xf32> to vector<2048xf32>
    %broadcast_in_dim3A_107 = vector.shape_cast %reduce_sum3A_106 : vector<2048xf32> to vector<2048x1xf32>
    %squeeze3A_108 = vector.shape_cast %broadcast_in_dim3A_107 : vector<2048x1xf32> to vector<2048xf32>
    %reshape3A_109 = vector.shape_cast %squeeze3A_108 : vector<2048xf32> to vector<1x16x128xf32>
    %swap3A_110 = arith.constant 0 : index
    %swap3A_111 = arith.constant 0 : index
    %swap3A_112 = arith.constant 0 : index
    %swap3A_113 = vector.load %arg11[%swap3A_110, %swap3A_111, %swap3A_112] : memref<1x16x128xf32, #tpu.memory_space<vmem>>, vector<1x16x128xf32>
    tpu.vector_store %arg11[%swap3A_110, %swap3A_111, %swap3A_112], %reshape3A_109 {strides = array<i32>} : memref<1x16x128xf32, #tpu.memory_space<vmem>>, vector<1x16x128xf32>,
    %get3A_114 = arith.constant 128 : index
    %get3A_115 = arith.constant 0 : index
    %get3A_116 = vector.load %arg8[%get3A_114, %get3A_115] : memref<129x1024xf32, #tpu.memory_space<vmem>>, vector<1x1024xf32>
    %jit3A_117 = arith.constant 0.000000e+00 : f32
    %broadcast_in_dim3A_118 = vector.shape_cast %get3A_116 : vector<1x1024xf32> to vector<1x1024xf32>
    %broadcast_in_dim3A_119 = vector.broadcast %broadcast_in_dim3A_118 : vector<1x1024xf32> to vector<2048x1024xf32>
    %broadcast_in_dim3A_120 = vector.broadcast %jit3A_117 : f32 to vector<2048x1024xf32>
    %select_n3A_121 = arith.select %eq3A_102, %broadcast_in_dim3A_119, %broadcast_in_dim3A_120 : vector<2048x1024xi1>, vector<2048x1024xf32>
    %reduce_sum3A_122 = arith.constant dense<0.000000e+00> : vector<2048xf32>
    %reduce_sum3A_123 = vector.multi_reduction <add>, %select_n3A_121, %reduce_sum3A_122 [1] : vector<2048x1024xf32> to vector<2048xf32>
    %broadcast_in_dim3A_124 = vector.shape_cast %reduce_sum3A_123 : vector<2048xf32> to vector<2048x1xf32>
    %transpose3A_125 = tpu.transpose %broadcast_in_dim3A_124, [1, 0] : vector<2048x1xf32> -> vector<1x2048xf32>
    %swap3A_126 = arith.constant 0 : index
    %swap3A_127 = arith.constant 0 : index
    %swap3A_128 = vector.load %arg12[%swap3A_126, %swap3A_127] : memref<1x2048xf32, #tpu.memory_space<vmem>>, vector<1x2048xf32>
    tpu.vector_store %arg12[%swap3A_126, %swap3A_127], %transpose3A_125 {strides = array<i32>} : memref<1x2048xf32, #tpu.memory_space<vmem>>, vector<1x2048xf32>,
    return
  }
  func.func @transform_0(%arg0: i32) -> (i32, i32) {
    %c0_i32 = arith.constant 0 : i32
    %c0_i32_0 = arith.constant 0 : i32
    return %arg0, %c0_i32 : i32, i32
  }
  func.func @transform_1(%arg0: i32) -> (i32, i32) {
    %c0_i32 = arith.constant 0 : i32
    %c0_i32_0 = arith.constant 0 : i32
    %c0_i32_1 = arith.constant 0 : i32
    return %c0_i32, %c0_i32_0 : i32, i32
  }
  func.func @transform_2(%arg0: i32) -> (i32, i32) {
    %c0_i32 = arith.constant 0 : i32
    %c0_i32_0 = arith.constant 0 : i32
    %c0_i32_1 = arith.constant 0 : i32
    return %c0_i32, %c0_i32_0 : i32, i32
  }
  func.func @transform_3(%arg0: i32) -> (i32, i32) {
    %c0_i32 = arith.constant 0 : i32
    %c0_i32_0 = arith.constant 0 : i32
    %c0_i32_1 = arith.constant 0 : i32
    return %c0_i32, %c0_i32_0 : i32, i32
  }
  func.func @transform_4(%arg0: i32) -> (i32, i32) {
    %c0_i32 = arith.constant 0 : i32
    %c0_i32_0 = arith.constant 0 : i32
    %c0_i32_1 = arith.constant 0 : i32
    return %c0_i32, %c0_i32_0 : i32, i32
  }
  func.func @transform_5(%arg0: i32) -> (i32, i32) {
    %c0_i32 = arith.constant 0 : i32
    %c0_i32_0 = arith.constant 0 : i32
    %c0_i32_1 = arith.constant 0 : i32
    return %c0_i32, %c0_i32_0 : i32, i32
  }
  func.func @transform_6(%arg0: i32) -> (i32, i32) {
    %c0_i32 = arith.constant 0 : i32
    %c0_i32_0 = arith.constant 0 : i32
    %c0_i32_1 = arith.constant 0 : i32
    return %c0_i32, %c0_i32_0 : i32, i32
  }
  func.func @transform_7(%arg0: i32) -> (i32, i32) {
    %c0_i32 = arith.constant 0 : i32
    %c0_i32_0 = arith.constant 0 : i32
    %c0_i32_1 = arith.constant 0 : i32
    return %c0_i32, %c0_i32_0 : i32, i32
  }
  func.func @transform_8(%arg0: i32) -> (i32, i32) {
    %c0_i32 = arith.constant 0 : i32
    %c0_i32_0 = arith.constant 0 : i32
    return %c0_i32, %arg0 : i32, i32
  }
  func.func @transform_9(%arg0: i32) -> (i32, i32, i32) {
    %c0_i32 = arith.constant 0 : i32
    %c0_i32_0 = arith.constant 0 : i32
    %c0_i32_1 = arith.constant 0 : i32
    return %arg0, %c0_i32, %c0_i32_0 : i32, i32, i32
  }
  func.func @transform_10(%arg0: i32) -> (i32, i32, i32) {
    %c0_i32 = arith.constant 0 : i32
    %c0_i32_0 = arith.constant 0 : i32
    %c0_i32_1 = arith.constant 0 : i32
    return %arg0, %c0_i32, %c0_i32_0 : i32, i32, i32
  }
  func.func @transform_11(%arg0: i32) -> (i32, i32) {
    %c0_i32 = arith.constant 0 : i32
    %c0_i32_0 = arith.constant 0 : i32
    return %c0_i32, %arg0 : i32, i32
  }
}

module attributes {stable_mosaic.version = 14 : i64} {
  func.func @_asm_body(%arg0: i32, %arg1: memref<8192x128xf32, #tpu.memory_space<vmem>>, %arg2: memref<1x8192xf32, #tpu.memory_space<vmem>>, %arg3: memref<129x8192xf32, #tpu.memory_space<vmem>>) attributes {dimension_semantics = [#tpu.dimension_semantics<arbitrary>], iteration_bounds = array<i64: 2>, scalar_prefetch = 0 : i64, scratch_operands = 0 : i64, tpu.core_type = #tpu.core_type<tc>, window_params = [{transform_indices = @transform_0, window_bounds = array<i64: 8192, 128>}, {transform_indices = @transform_1, window_bounds = array<i64: 1, 8192>}, {transform_indices = @transform_2, window_bounds = array<i64: 129, 8192>}]} {
    %get3A = arith.constant 0 : index
    %get3A_0 = arith.constant 0 : index
    %get3A_1 = vector.load %arg1[%get3A, %get3A_0] : memref<8192x128xf32, #tpu.memory_space<vmem>>, vector<8192x128xf32>
    %transpose3A = tpu.transpose %get3A_1, [1, 0] : vector<8192x128xf32> -> vector<128x8192xf32>
    %swap3A = arith.constant 0 : index
    %swap3A_2 = arith.constant 0 : index
    %swap3A_3 = vector.load %arg3[%swap3A, %swap3A_2] : memref<129x8192xf32, #tpu.memory_space<vmem>>, vector<128x8192xf32>
    tpu.vector_store %arg3[%swap3A, %swap3A_2], %transpose3A {strides = array<i32>} : memref<129x8192xf32, #tpu.memory_space<vmem>>, vector<128x8192xf32>,
    %get3A_4 = arith.constant 0 : index
    %get3A_5 = arith.constant 0 : index
    %get3A_6 = vector.load %arg2[%get3A_4, %get3A_5] : memref<1x8192xf32, #tpu.memory_space<vmem>>, vector<1x8192xf32>
    %swap3A_7 = arith.constant 128 : index
    %swap3A_8 = arith.constant 0 : index
    %swap3A_9 = vector.load %arg3[%swap3A_7, %swap3A_8] : memref<129x8192xf32, #tpu.memory_space<vmem>>, vector<1x8192xf32>
    tpu.vector_store %arg3[%swap3A_7, %swap3A_8], %get3A_6 {strides = array<i32>} : memref<129x8192xf32, #tpu.memory_space<vmem>>, vector<1x8192xf32>,
    return
  }
  func.func @transform_0(%arg0: i32) -> (i32, i32) {
    %c0_i32 = arith.constant 0 : i32
    %c0_i32_0 = arith.constant 0 : i32
    return %arg0, %c0_i32 : i32, i32
  }
  func.func @transform_1(%arg0: i32) -> (i32, i32) {
    %c0_i32 = arith.constant 0 : i32
    %c0_i32_0 = arith.constant 0 : i32
    return %c0_i32, %arg0 : i32, i32
  }
  func.func @transform_2(%arg0: i32) -> (i32, i32) {
    %c0_i32 = arith.constant 0 : i32
    %c0_i32_0 = arith.constant 0 : i32
    return %c0_i32, %arg0 : i32, i32
  }
}

</mosaic_0001>

<sc_bundles>
// kernel: kernel.5.cloned.1.call-start
scs
__scs_entry_jumppad:
0x0: {  	(pc) =	sbr.rel $0x88, $3  }
0x1: {  	(tag) =	ssettag $0x0;
	lr =	simm.s32 $0x1  }
0x2: {  	[smem:$0x3F99] =	sst lr;
	_ =	strace $0xD0000000  }
0x3: {  	_ = 	snop  }
0x4: {  	_ = 	snop  }
0x5: {  	_ = 	snop  }
0x6: {  	_ = 	snop  }
0x7: {  	_ = 	snop  }
__scs_overlays_trampoline_lowered:
0x8: {  	[smem:$0x3FA8] =	sst s0  }
0x9: {  	[smem:$0x3FA9] =	sst s1  }
0xa: {  	[smem:$0x3FAA] =	sst s2  }
0xb: {  	[smem:$0x3FAB] =	sst s3  }
0xc: {  	[smem:$0x3FAC] =	sst s4  }
0xd: {  	[smem:$0x3FAD] =	sst s5  }
0xe: {  	[smem:$0x3FAE] =	sst s6  }
0xf: {  	[smem:$0x3FAF] =	sst s7  }
0x10: {  	[smem:$0x3FB0] =	sst s8  }
0x11: {  	[smem:$0x3FB1] =	sst s9;
	s0 =	simm.s32 @!p0 $0x0  }
0x12: {  	s1 =	sld [smem:$0x3F97];
	s0 =	simm.s32 @p0 $0x1  }
0x13: {  	[smem:$0x3FB2] =	sst s0;
	s0 =	simm.s32 @!p1 $0x0  }
0x14: {  	s2 =	sld [smem:$0x3F96];
	s0 =	simm.s32 @p1 $0x1  }
0x15: {  	[smem:$0x3FB3] =	sst s0;
	s0 =	simm.s32 @!p2 $0x0  }
0x16: {  	s3 =	sld [smem:$0x3FDB];
	s0 =	simm.s32 @p2 $0x1  }
0x17: {  	s4 =	simm.s32 $0x1BF5;
	[smem:$0x3FB5] =	sst s0  }
0x18: {  	s0 =	sld [smem:$0x3F98];
	_ =	swait.ge [sflag:s4], $0x0  }
0x19: {  	s7 =	sld [smem:$0x3F99]  }
0x1a: {  	s8 =	sadd.s32 $0xFFFFE003, lr  }
0x1b: {  	s9 =	sadd.s32 $0xFFFFFEF7, lr;
	s5 =	simm.s32 $0xFFFFFFFF;
	p2 =	slt.u32 s8, $0xFFFFF086  }
0x1c: {  	p1 =	slt.u32 s9, $0xF7A;
	s5 =	simm.s32 @!p2 $0x0  }
0x1d: {  	s5 =	simm.s32 @p1 $0x1;
	p0 =	seq.s32 s7, s2  }
0x1e: {  	s7 =	smul.u32 @!p0 $0xF7A, s2;
	p2 =	seq.s32 @!p0 s5, $0x0  }
0x1f: {  	s9 =	smul.u32 $0xF7A, s1;
	s8 =	simm.s32 @!p0 $0x1BF5;
	p2 =	por !p2, p0  }
0x20: {  	[sflag:s8] =	ssyncset.s32 @!p0 $0xFFFFF086;
	s6 =	sadd.s32 @!p0 s3, s7;
	s7 =	simm.s32 @!p0 $0x108  }
0x21: {  	s3 =	sadd.s32 s3, s9;
	s6 =	sadd.s32 @!p0 $0x88, s6;
	s7 =	simm.s32 @p2 $0x1082  }
0x22: {  	[simem:s7], [sflag:s8] =	dma.local @!p0 [hbm:s6], $0xF7A  }
0x23: {  	s9 =	sor.u32 $0xD0000000, s2;
	s6 =	simm.s32 $0x108;
	_ =	swait.ge @!p0 [sflag:s8], $0x0  }
0x24: {  	s3 =	sadd.s32 $0x88, s3;
	s6 =	simm.s32 @!p1 $0x1082;
	[sflag:s4] =	ssyncset.s32 $0xFFFFF086  }
0x25: {  	[simem:s6], [sflag:s4] =	dma.local [hbm:s3], $0xF7A  }
0x26: {  	[smem:$0x3F99] =	sst s1;
	(tag) =	ssettag s2;
	_ =	strace s9  }
0x27: {  	s1 =	sld [smem:$0x3FA9]  }
0x28: {  	s2 =	sld [smem:$0x3FAA]  }
0x29: {  	s4 =	sld [smem:$0x3FAC]  }
0x2a: {  	p0 =	seq.s32 s5, $0x0;
	s5 =	sld [smem:$0x3FAD]  }
0x2b: {  	s6 =	sld [smem:$0x3FAE]  }
0x2c: {  	s7 =	sld [smem:$0x3FAF]  }
0x2d: {  	s3 =	simm.s32 $0x108;
	s8 =	sld [smem:$0x3FB0]  }
0x2e: {  	s3 =	simm.s32 @!p0 $0x1082;
	s9 =	sld [smem:$0x3FB1]  }
0x2f: {  	lr =	sadd.s32 s0, s3;
	s0 =	sld [smem:$0x3FA8]  }
0x30: {  	s3 =	sld [smem:$0x3FAB]  }
0x31: {  	[smem:$0x3FB4] =	sst s10  }
0x32: {  	s10 =	sld [smem:$0x3FB2];
	_ =	sdelay $0x3  }
0x33: {  	p0 =	seq.s32 s10, $0x1;
	s10 =	sld [smem:$0x3FB4];
	_ =	sdelay $0x3  }
0x34: {  	[smem:$0x3FB4] =	sst s10  }
0x35: {  	s10 =	sld [smem:$0x3FB3];
	_ =	sdelay $0x3  }
0x36: {  	p1 =	seq.s32 s10, $0x1;
	s10 =	sld [smem:$0x3FB4];
	_ =	sdelay $0x3  }
0x37: {  	[smem:$0x3FB4] =	sst s10  }
0x38: {  	s10 =	sld [smem:$0x3FB5]  }
0x39: {  	_ = 	snop;
	(pc) =	sbr.ind lr, $3  }
0x3a: {  	_ = 	snop  }
0x3b: {  	_ = 	snop  }
0x3c: {  	p2 =	seq.s32 s10, $0x1;
	s10 =	sld [smem:$0x3FB4]  }
0x3d: {  	_ =	shalt  }
0x3e: {  	_ =	shalt  }
0x3f: {  	_ =	shalt  }
0x40: {  	_ =	shalt  }
0x41: {  	_ =	shalt  }
0x42: {  	_ =	shalt  }
0x43: {  	_ =	shalt  }
0x44: {  	_ =	shalt  }
0x45: {  	_ =	shalt  }
0x46: {  	_ =	shalt  }
0x47: {  	_ =	shalt  }
0x48: {  	_ =	shalt  }
0x49: {  	_ =	shalt  }
0x4a: {  	_ =	shalt  }
0x4b: {  	_ =	shalt  }
0x4c: {  	_ =	shalt  }
0x4d: {  	_ =	shalt  }
0x4e: {  	_ =	shalt  }
0x4f: {  	_ =	shalt  }
0x50: {  	_ =	shalt  }
0x51: {  	_ =	shalt  }
0x52: {  	_ =	shalt  }
0x53: {  	_ =	shalt  }
0x54: {  	_ =	shalt  }
0x55: {  	_ =	shalt  }
0x56: {  	_ =	shalt  }
0x57: {  	_ =	shalt  }
0x58: {  	_ =	shalt  }
0x59: {  	_ =	shalt  }
0x5a: {  	_ =	shalt  }
0x5b: {  	_ =	shalt  }
0x5c: {  	_ =	shalt  }
0x5d: {  	_ =	shalt  }
0x5e: {  	_ =	shalt  }
0x5f: {  	_ =	shalt  }
0x60: {  	_ =	shalt  }
0x61: {  	_ =	shalt  }
0x62: {  	_ =	shalt  }
0x63: {  	_ =	shalt  }
0x64: {  	_ =	shalt  }
0x65: {  	_ =	shalt  }
0x66: {  	_ =	shalt  }
0x67: {  	_ =	shalt  }
0x68: {  	_ =	shalt  }
0x69: {  	_ =	shalt  }
0x6a: {  	_ =	shalt  }
0x6b: {  	_ =	shalt  }
0x6c: {  	_ =	shalt  }
0x6d: {  	_ =	shalt  }
0x6e: {  	_ =	shalt  }
0x6f: {  	_ =	shalt  }
0x70: {  	_ =	shalt  }
0x71: {  	_ =	shalt  }
0x72: {  	_ =	shalt  }
0x73: {  	_ =	shalt  }
0x74: {  	_ =	shalt  }
0x75: {  	_ =	shalt  }
0x76: {  	_ =	shalt  }
0x77: {  	_ =	shalt  }
0x78: {  	_ =	shalt  }
0x79: {  	_ =	shalt  }
0x7a: {  	_ =	shalt  }
0x7b: {  	_ =	shalt  }
0x7c: {  	_ =	shalt  }
0x7d: {  	_ =	shalt  }
0x7e: {  	_ =	shalt  }
0x7f: {  	_ =	shalt  }
0x80: {  	_ =	shalt  }
0x81: {  	_ =	shalt  }
0x82: {  	_ =	shalt  }
0x83: {  	_ =	shalt  }
0x84: {  	_ =	shalt  }
0x85: {  	_ =	shalt  }
0x86: {  	_ =	shalt  }
0x87: {  	_ =	shalt  }
.Lfunc_end0:
.L_simem_size_0:
called_computation_lowered:
.L_overlay_start_0:
0x88: {  	s2 =	sld [smem:$0x3FD9]  }
0x89: {  	s3 =	sld [smem:$0x3FFE];
	_ =	sdelay $0x1  }
0x8a: {  	s1 =	srdreg.scid  }
0x8b: {  	s0 =	sand.u32 $0x1, s1  }
0x8c: {  	s14 =	sshll.u32 s0, $0xA;
	s2 =	sadd.s32 s3, s2  }
0x8d: {  	s2 =	sadd.s32 s2, s14  }
0x8e: {  	[smem:$0x3FC0] =	sst s2  }
0x8f: {  	_ = 	snop  }
0x90: {  	s2 =	sld [smem:$0x3FD0];
	_ =	sdelay $0x2  }
0x91: {  	s15 =	simm.s32 $0xA;
	s4 =	simm.s32 $0x10  }
0x92: {  	[smem:s4], [sflag:s15] =	dma.local [hbm:s2], $0x1  }
0x93: {  	_ =	swait.eq [sflag:s15], $0x1  }
0x94: {  	[sflag:s15] =	ssyncset.done $0x0  }
0x95: {  	s16 =	sld [smem:$0x11];
	[sflag:s15] =	ssyncadd.s32 $0xFFFFFFFF  }
0x96: {  	s17 =	sld [smem:$0x12];
	(tm) =	ssettm $0x1  }
0x97: {  	s18 =	sld [smem:$0x3FFB];
	_ =	sdelay $0x3  }
0x98: {  	_ =	strace s18  }
0x99: {  	s4 =	sld [smem:$0x3FFC];
	_ =	sdelay $0x3  }
0x9a: {  	_ =	strace s4  }
0x9b: {  	s4 =	sld [smem:$0x3FFD];
	_ =	sdelay $0x3  }
0x9c: {  	_ =	strace s4  }
0x9d: {  	_ =	strace $0x8FFFFFFF  }
0x9e: {  	s19 =	sld [smem:$0x3FDB];
	_ =	sdelay $0x1  }
0x9f: {  	s5 =	simm.s32 $_scs_section_size  }
0xa0: {  	s6 =	simm.s32 $_size__tile_overlayer_lowered;
	s7 =	simm.s32 $_tile_overlayer_lowered  }
0xa1: {  	s22 =	simm.s32 $0x1BFF;
	s21 =	sshll.u32 s7, $0x1;
	s4 =	sadd.s32 s5, s19  }
0xa2: {  	s8 =	simm.s32 $0x0;
	s20 =	sshll.u32 s6, $0x1;
	s6 =	sadd.s32 s21, s4  }
0xa3: {  	[timem:s8], [sflag:s22] =	dma.local [hbm:s6], s20  }
0xa4: {  	_ =	swait.ge [sflag:s22], s20  }
0xa5: {  	s5 =	ssub.s32 $0x0, s20;
	[sflag:s22] =	ssyncset.done $0x0  }
0xa6: {  	[sflag:s22] =	ssyncadd.s32 s5;
	_ =	sdelay $0x1  }
0xa7: {  	s23 =	simm.s32 $0x1B8B  }
0xa8: {  	_ =	swait.ge [sflag:s23], $0x1  }
0xa9: {  	[sflag:s23] =	ssyncset.done $0x0  }
0xaa: {  	s25 =	simm.s32 $0x1B8E;
	s24 =	sld [smem:$0x3FFE];
	[sflag:s23] =	ssyncadd.s32 $0xFFFFFFFF  }
0xab: {  	s26 =	simm.s32 $execute0_lowered;
	[smem:$0x3FD2] =	sst s25  }
0xac: {  	s6 =	sshll.u32 s26, $0x1;
	_ =	strace $0x80000046;
	[dreg:$0x1] =	wrdreg $0xFFFFFFFF  }
0xad: {  	s28 =	simm.s32 $_size_execute0_lowered;
	s4 =	sadd.s32 s4, s6;
	[dreg:$0x0] =	wrdreg $0x0  }
0xae: {  	s6 =	sshll.u32 s28, $0x1;
	[dreg:$0x2] =	wrdreg s4  }
0xaf: {  	[dreg:$0x3] =	wrdreg s6  }
0xb0: {  	[dreg:$0x4] =	wrdreg $0xC0  }
0xb1: {  	_ =	task [dreg:s8], $0x5FFFF  }
0xb2: {  	[dreg:$0x1] =	wrdreg $0xFFFFFFFF  }
0xb3: {  	[dreg:$0x0] =	wrdreg $0x60  }
0xb4: {  	[dreg:$0x2] =	wrdreg s24  }
0xb5: {  	[dreg:$0x3] =	wrdreg s17  }
0xb6: {  	[dreg:$0x4] =	wrdreg s16  }
0xb7: {  	[dreg:$0x5] =	wrdreg $0x9  }
0xb8: {  	_ =	task.clear_ibuf [dreg:s8], $0x6FFFF;
	_ =	strace $0x90000046  }
0xb9: {  	s29 =	simm.s32 $0x9;
	_ =	strace $0x80000048  }
0xba: {  	_ =	swait.ge [sflag:s29], $0x1  }
0xbb: {  	[sflag:s29] =	ssyncadd.s32 $0xFFFFFFFF  }
0xbc: {  	_ =	strace $0x90000048  }
0xbd: {  	_ =	sfence  }
0xbe: {  	s30 =	sld [smem:$0x0];
	_ =	sdelay $0x2  }
0xbf: {  	s31 =	sshll.u32 s1, $0xD;
	s1 =	sshrl.u32 s1, $0x2  }
0xc0: {  	s3 =	sand.u32 $0x4000, s31;
	s1 =	sadd.s32 s1, s30  }
0xc1: {  	s0 =	sor.u32 s3, s0;
	s1 =	sshll.u32 s1, $0x11  }
0xc2: {  	s0 =	sor.u32 s1, s0  }
0xc3: {  	s0 =	sadd.s32 $0x8F2B, s0  }
0xc4: {  	[sflag:s0] =	ssyncadd.remote.s32 $0x1  }
0xc5: {  	_ =	sfence.sel $0xFFFF  }
0xc6: {  	[dreg:$0x0] =	wrdreg $0xFFFFFFFF;
	(pc) =	sbr.abs _section_cstart, $3  }
0xc7: {  	[dreg:$0x1] =	wrdreg $0xFFFFFFFF  }
0xc8: {  	_ =	task.clear_ibuf [dreg:s8], $0x2FFFF;
	_ =	strace $0x9FFFFFFF  }
0xc9: {  	(tm) =	ssettm $0x7FFFFFFF  }
tec
execute0_lowered:
.L_overlay_start_1:
0x0: {  	(tag) =	ssettag $0x1  }
0x1: {  	s5 =	rddreg [dreg:$0x0];
	s1 =	srdreg.scid  }
0x2: {  	s3 =	rddreg [dreg:$0x1];
	s0 =	stileid.u32;
	s14 =	sand.u32 $0x1, s1  }
0x3: {  	s15 =	rddreg [dreg:$0x2];
	s4 =	sshll.u32 s0, $0xA;
	s6 =	sshll.u32 s14, $0x9  }
0x4: {  	s2 =	simm.s32 $0x0;
	s1 =	rddreg [dreg:$0x3];
	s16 =	sor.u32 s6, s4  }
0x5: {  	[smem:$0x7FF] =	sst s2;
	s4 =	sshrl.u32 s16, $0x3  }
0x6: {  	_ =	strace $0x80000047;
	s4 =	sadd.s32 s3, s4;
	s3 =	simm.s32 $0x2  }
0x7: {  	[tilespmem:s2], [sflag:$0x2] =	stream.linear.gather [hbm4b:s4+s2], $0x200, $0x38;
	[tilespmem:$0x10200] =	vst v63  }
0x8: {  	_ =	swait.ge [sflag:s3], $0x200  }
0x9: {  	s7 =	simm.s32 $0x200;
	[sflag:s3] =	ssyncset.done $0x0  }
0xa: {  	s5 =	sadd.s32 $0x1600, s5;
	s6 =	simm.s32 $0x80;
	[sflag:s3] =	ssyncadd.s32 $0xFFFFFE00  }
0xb: {  	[tilespmem:s7], [sflag:$0x1] =	stream.indirect.gather [hbm4b:s5+s6], $0x80, s2, s6, $0xb8;
	[tilespmem:$0x10200] =	vst v63  }
0xc: {  	s8 =	simm.s32 $0x4200  }
0xd: {  	[tilespmem:s8], [sflag:$0x1] =	stream.indirect.gather [hbm4b:s5+s6], $0x80, s6, s6, $0xb8;
	[tilespmem:$0x10200] =	vst v63  }
0xe: {  	s9 =	simm.s32 $0x100;
	s10 =	simm.s32 $0x8200  }
0xf: {  	[tilespmem:s10], [sflag:$0x1] =	stream.indirect.gather [hbm4b:s5+s6], $0x80, s9, s6, $0xb8;
	[tilespmem:$0x10200] =	vst v63  }
0x10: {  	s11 =	simm.s32 $0x180;
	s12 =	simm.s32 $0xC200;
	s13 =	simm.s32 $0x1  }
0x11: {  	[tilespmem:s12], [sflag:$0x1] =	stream.indirect.gather [hbm4b:s5+s6], $0x80, s11, s6, $0xb8;
	[tilespmem:$0x10200] =	vst v63  }
0x12: {  	_ =	swait.ge [sflag:s13], $0x4000  }
0x13: {  	[sflag:s13] =	ssyncset.done $0x0  }
0x14: {  	[sflag:s13] =	ssyncadd.s32 $0xFFFFC000  }
0x15: {  	_ =	swait.ge [sflag:s13], $0x4000  }
0x16: {  	[sflag:s13] =	ssyncset.done $0x0  }
0x17: {  	s14 =	ssub.s32 $0x2, s14;
	[sflag:s13] =	ssyncadd.s32 $0xFFFFC000  }
0x18: {  	s17 =	sshrl.u32 s14, $0x1;
	_ =	swait.ge [sflag:s13], $0x4000  }
0x19: {  	s17 =	ssub.s32 s14, s17;
	[sflag:s13] =	ssyncset.done $0x0  }
0x1a: {  	s31 =	smax.u32 s17, $0x1;
	[sflag:s13] =	ssyncadd.s32 $0xFFFFC000  }
0x1b: {  	p0 =	sne.s32 s31, $0x1;
	_ =	swait.ge [sflag:s13], $0x4000  }
.Ltmp0:
0x1c: {  	s30 =	sshll.u32 s16, $0x4;
	[sflag:s13] =	ssyncset.done $0x0;
	(pc) =	sbr.rel @!p0 .LBB2_2-.Ltmp0, $4  }
0x1d: {  	s14 =	sadd.s32 s15, s30;
	[sflag:s13] =	ssyncadd.s32 $0xFFFFC000  }
0x1e: {  	[hbm4b:s14+s2] =	stream.linear.scatter [tilespmem:s7], [sflag:$0x2], $0x10000, $0x38;
	[tilespmem:$0x10200] =	vst v63  }
0x1f: {  	_ =	swait.ge [sflag:s3], $0x10000  }
0x20: {  	s15 =	sadd.s32 $0xFFFFFFFF, s31;
	[sflag:s3] =	ssyncset.done $0x0  }
.LBB2_1:
0x21: {  	p0 =	sne.s32 s15, $0x1;
	s15 =	sadd.s32 $0xFFFFFFFF, s15;
	[sflag:s3] =	ssyncadd.s32 $0xFFFF0000  }
0x22: {  	[tilespmem:s2], [sflag:$0x2] =	stream.linear.gather [hbm4b:s4+s2], $0x200, $0x38;
	[tilespmem:$0x10200] =	vst v63  }
0x23: {  	_ =	swait.ge [sflag:s3], $0x200  }
0x24: {  	[sflag:s3] =	ssyncset.done $0x0  }
0x25: {  	[sflag:s3] =	ssyncadd.s32 $0xFFFFFE00  }
0x26: {  	[tilespmem:s7], [sflag:$0x1] =	stream.indirect.gather [hbm4b:s5+s6], $0x80, s2, s6, $0xb8;
	[tilespmem:$0x10200] =	vst v63  }
0x27: {  	_ = 	snop  }
0x28: {  	[tilespmem:s8], [sflag:$0x1] =	stream.indirect.gather [hbm4b:s5+s6], $0x80, s6, s6, $0xb8;
	[tilespmem:$0x10200] =	vst v63  }
0x29: {  	_ = 	snop  }
0x2a: {  	[tilespmem:s10], [sflag:$0x1] =	stream.indirect.gather [hbm4b:s5+s6], $0x80, s9, s6, $0xb8;
	[tilespmem:$0x10200] =	vst v63  }
0x2b: {  	_ = 	snop  }
0x2c: {  	[tilespmem:s12], [sflag:$0x1] =	stream.indirect.gather [hbm4b:s5+s6], $0x80, s11, s6, $0xb8;
	[tilespmem:$0x10200] =	vst v63  }
0x2d: {  	_ =	swait.ge [sflag:s13], $0x4000  }
0x2e: {  	[sflag:s13] =	ssyncset.done $0x0  }
0x2f: {  	[sflag:s13] =	ssyncadd.s32 $0xFFFFC000  }
0x30: {  	_ =	swait.ge [sflag:s13], $0x4000  }
0x31: {  	[sflag:s13] =	ssyncset.done $0x0  }
0x32: {  	[sflag:s13] =	ssyncadd.s32 $0xFFFFC000  }
0x33: {  	_ =	swait.ge [sflag:s13], $0x4000  }
0x34: {  	[sflag:s13] =	ssyncset.done $0x0  }
0x35: {  	[sflag:s13] =	ssyncadd.s32 $0xFFFFC000  }
0x36: {  	_ =	swait.ge [sflag:s13], $0x4000  }
.Ltmp1:
0x37: {  	[sflag:s13] =	ssyncset.done $0x0;
	(pc) =	sbr.rel @p0 .LBB2_1-.Ltmp1, $4  }
0x38: {  	[sflag:s13] =	ssyncadd.s32 $0xFFFFC000  }
0x39: {  	[hbm4b:s14+s2] =	stream.linear.scatter [tilespmem:s7], [sflag:$0x2], $0x10000, $0x38;
	[tilespmem:$0x10200] =	vst v63  }
0x3a: {  	_ =	swait.ge [sflag:s3], $0x10000  }
0x3b: {  	[sflag:s3] =	ssyncset.done $0x0  }
.LBB2_2:
0x3c: {  	[sflag:s3] =	ssyncadd.s32 $0xFFFF0000  }
0x3d: {  	_ =	sfence.sel $0x180000  }
0x3e: {  	[bflag:$0x0] =	sbarrier.arrive $0xFFFF  }
0x3f: {  	p0 =	sne.s32 s0, $0x0;
	_ =	strace $0x90000047  }
0x40: {  	s0 =	sadd.s32 @!p0 $0x100000, s1;
	[bflag:$0x2] =	sbarrier.arrive $0xFFFF  }
0x41: {  	[sflag:s0] =	ssyncadd.tile.s32 @!p0 $0x1;
	_ =	shalt  }
.Lfunc_end2:
_tile_overlayer_lowered:
.L_overlay_start_2:
0x42: {  	(tag) =	ssettag $0x2  }
0x43: {  	s0 =	rddreg [dreg:$0x0];
	s2 =	stileid.u32  }
0x44: {  	s1 =	rddreg [dreg:$0x1];
	p0 =	sne.s32 s2, $0x0  }
0x45: {  	s3 =	rddreg [dreg:$0x2];
	[bflag:$0x3] =	sbarrier.arrive $0xFFFF;
	s2 =	simm.s32 @!p0 $0x1C02  }
0x46: {  	[timem:s3], [sflag:s2] =	dma.local @!p0 [hbm:s0], s1  }
0x47: {  	s0 =	simm.s32 @!p0 $0x2  }
0x48: {  	_ =	swait.ge @!p0 [sflag:s0], s1  }
0x49: {  	s1 =	ssub.s32 @!p0 $0x0, s1;
	[sflag:s0] =	ssyncset.done @!p0 $0x0  }
0x4a: {  	[sflag:s0] =	ssyncadd.s32 @!p0 s1  }
0x4b: {  	[bflag:$0x3] =	sbarrier.arrive $0xFFFF  }
0x4c: {  	_ =	shalt  }

</sc_bundles>
